<compile_context>
chip_gen: v7x
topology: tpu7x:2x2x1
jax: 0.10.2.dev20260603
libtpu: 0.0.44.dev20260713+nightly
codegen_flags: <defaults>
</compile_context>

<pallas_src>
import functools

import jax
import jax.numpy as jnp
from jax import lax
from jax.experimental import pallas as pl
from jax.experimental.pallas import tpu as pltpu, tpu_sc as plsc

_B = 16
_NC = 6
_CW = 73728
_NISS = 8
_IMG_CHUNKS_PER_CORE = 288
_NGROUPS = _IMG_CHUNKS_PER_CORE // _NISS


def _sc_body(cam_hbm, imgs_hbm, imgs_out,
             cam_v, zstage, slots, zeros, sem_cam, sem_z, sem_in, sem_out):
    cid = lax.axis_index("c")
    sid = lax.axis_index("s")

    pltpu.make_async_copy(cam_hbm, cam_v.at[pl.ds(0, 16)], sem_cam).start()

    @pl.when(sid == 0)
    def _init_zeros():
        def _zf(i, _):
            for u in range(8):
                zstage[pl.ds(i * 128 + u * 16, 16)] = jnp.zeros((16,), jnp.float32)
            return 0
        lax.fori_loop(0, _CW // 128, _zf, 0)
        pltpu.make_async_copy(zstage, zeros, sem_z).start()
        pltpu.make_async_copy(zstage, zeros, sem_z).wait()

    pltpu.make_async_copy(cam_hbm, cam_v.at[pl.ds(0, 16)], sem_cam).wait()
    plsc.subcore_barrier()

    @pl.when(sid < _NISS)
    def _issue():
        slot = slots.at[sid]

        def _group(g, _):
            ch = g * _NISS + sid
            idx = cid * _IMG_CHUNKS_PER_CORE + ch
            row = idx // 6
            keep = cam_v[pl.ds(row // _NC, 16)][0] != row % _NC

            @pl.when(keep)
            def _copy():
                pltpu.make_async_copy(imgs_hbm.at[idx], slot, sem_in).start()
                pltpu.make_async_copy(imgs_hbm.at[idx], slot, sem_in).wait()
                pltpu.make_async_copy(slot, imgs_out.at[idx], sem_out).start()
                pltpu.make_async_copy(slot, imgs_out.at[idx], sem_out).wait()

            @pl.when(jnp.logical_not(keep))
            def _blank():
                pltpu.make_async_copy(zeros, imgs_out.at[idx], sem_out).start()
                pltpu.make_async_copy(zeros, imgs_out.at[idx], sem_out).wait()

            return 0

        lax.fori_loop(0, _NGROUPS, _group, 0)


def _tc_body(cam_ref, masks_ref, masks_out_ref):
    p = pl.program_id(0)
    keep = jnp.where(cam_ref[p // _NC] == p % _NC, 0.0, 1.0).astype(jnp.float32)
    masks_out_ref[...] = masks_ref[...] * keep


def kernel(imgs, grids, masks, cam_choice):
    B, NC, C, H, W = imgs.shape
    cam32 = cam_choice.astype(jnp.int32)
    imgs3 = imgs.reshape(B * NC * 6, _CW)
    masks2 = masks.reshape(B * NC, 128, 1152)

    mesh = plsc.VectorSubcoreMesh(core_axis_name="c", subcore_axis_name="s")
    sc = functools.partial(
        pl.kernel,
        out_type=jax.ShapeDtypeStruct(imgs3.shape, imgs3.dtype),
        mesh=mesh,
        scratch_types=[
            pltpu.VMEM((32,), jnp.int32),
            pltpu.VMEM((_CW,), jnp.float32),
            pltpu.MemorySpace.VMEM_SHARED((_NISS, _CW), jnp.float32),
            pltpu.MemorySpace.VMEM_SHARED((_CW,), jnp.float32),
            pltpu.SemaphoreType.DMA,
            pltpu.SemaphoreType.DMA,
            pltpu.SemaphoreType.DMA,
            pltpu.SemaphoreType.DMA,
        ],
    )(_sc_body)

    imgs_out = sc(cam32, imgs3)

    masks_out = pl.pallas_call(
        _tc_body,
        grid_spec=pltpu.PrefetchScalarGridSpec(
            num_scalar_prefetch=1,
            grid=(B * NC,),
            in_specs=[pl.BlockSpec((1, 128, 1152), lambda p, cam: (p, 0, 0))],
            out_specs=pl.BlockSpec((1, 128, 1152), lambda p, cam: (p, 0, 0)),
        ),
        out_shape=jax.ShapeDtypeStruct(masks2.shape, masks2.dtype),
    )(cam32, masks2)

    return (imgs_out.reshape(imgs.shape), grids, masks_out.reshape(masks.shape))

# --- scband reference (transcript-rebuilt; emitter-appended) ---
"""Pipeline reference for scband-random-single-image-blanking-28535762715152 (READ-ONLY COPY).

The authoritative reference and input builder live on the scoring server;
editing this copy changes nothing except your own understanding.
"""

import jax, jax.numpy as jnp
import numpy as np

B = 16
NUM_CAM = 6
C = 3
HW = 384

def setup_inputs(seed: int = 0) -> dict:
    key = jax.random.key(seed)
    k1, k2, k3 = jax.random.split(key, 3)
    imgs = jax.random.normal(k1, (B, NUM_CAM, C, HW, HW), dtype=jnp.float32)
    grids = jax.random.uniform(k2, (B, NUM_CAM, HW, HW, 2), dtype=jnp.float32)
    masks = jnp.ones((B, NUM_CAM, HW, HW), dtype=jnp.float32)
    # randomness of torch.randint externalized for determinism
    cam_choice = jax.random.randint(k3, (B,), 0, NUM_CAM, dtype=jnp.int64 if jax.config.read('jax_enable_x64') else jnp.int32)
    return {"imgs": imgs, "grids": grids, "masks": masks, "cam_choice": cam_choice}

def reference(imgs, grids, masks, cam_choice):
    # masks[cam_idx] = zeros; imgs[cam_idx] = zeros  (scatter-overwrite on (batch, camera) pairs)
    b = jnp.arange(imgs.shape[0])
    masks_out = masks.at[b, cam_choice].set(jnp.zeros_like(masks[b, cam_choice]))
    imgs_out = imgs.at[b, cam_choice].set(jnp.zeros_like(imgs[b, cam_choice]))
    return (imgs_out, grids, masks_out)

if __name__ == "__main__":
    import jax
    _d = setup_inputs()
    print(jax.jit(kernel)(*tuple(_d.values())))

</pallas_src>

<mosaic_0001>
#map = affine_map<(d0, d1) -> (0)>
#map1 = affine_map<(d0, d1) -> (0, 0)>
module attributes {stable_mosaic.version = 14 : i64} {
  func.func @_sc_body(%arg0: i32, %arg1: i32, %arg2: memref<16xi32, #tpu.memory_space<hbm>>, %arg3: memref<576x73728xf32, #tpu.memory_space<hbm>>, %arg4: memref<576x73728xf32, #tpu.memory_space<hbm>>, %arg5: memref<32xi32, #tpu.memory_space<vmem>>, %arg6: memref<73728xf32, #tpu.memory_space<vmem>>, %arg7: memref<8x73728xf32, #tpu.memory_space<vmem_shared>>, %arg8: memref<73728xf32, #tpu.memory_space<vmem_shared>>, %arg9: memref<!tpu.dma_semaphore, #tpu.memory_space<semaphore_mem>>, %arg10: memref<!tpu.dma_semaphore, #tpu.memory_space<semaphore_mem>>, %arg11: memref<!tpu.dma_semaphore, #tpu.memory_space<semaphore_mem>>, %arg12: memref<!tpu.dma_semaphore, #tpu.memory_space<semaphore_mem>>) attributes {dimension_semantics = [#tpu.dimension_semantics<core_parallel>, #tpu.dimension_semantics<subcore_parallel>], iteration_bounds = array<i64: 2, 16>, scalar_prefetch = 0 : i64, scratch_operands = 8 : i64, tpu.core_type = #tpu.core_type<sc_vector_subcore>, window_params = [{transform_indices = #map}, {transform_indices = #map1}, {transform_indices = #map1}]} {
    %dma_start3A = arith.constant 0 : i32
    %dma_start3A_0 = tpu.memref_slice %arg5[%dma_start3A] : memref<32xi32, #tpu.memory_space<vmem>> -> memref<16xi32, #tpu.memory_space<vmem>>
    %dma_start3A_1 = arith.constant 0 : i32
    %dma_start3A_2 = tpu.memref_slice %arg5[%dma_start3A_1] : memref<32xi32, #tpu.memory_space<vmem>> -> memref<16xi32, #tpu.memory_space<vmem>>
    tpu.enqueue_dma source(%arg2 : memref<16xi32, #tpu.memory_space<hbm>>) target(%dma_start3A_2 : memref<16xi32, #tpu.memory_space<vmem>>) target_semaphore(%arg9 : memref<!tpu.dma_semaphore, #tpu.memory_space<semaphore_mem>>)
    %eq3A = arith.constant 0 : i32
    %eq3A_3 = arith.cmpi eq, %arg1, %eq3A : i32
    %convert_element_type3A = arith.extui %eq3A_3 : i1 to i32
    %cond3A = arith.constant 0 : i32
    %cond3A_4 = arith.cmpi ne, %convert_element_type3A, %cond3A : i32
    scf.if %cond3A_4 {
      %scan3A = arith.constant 0 : i32
      %scan3A_12 = arith.constant 0 : i32
      %scan3A_13 = arith.constant 576 : i32
      %scan3A_14 = arith.addi %scan3A_12, %scan3A_13 : i32
      %scan3A_15 = arith.constant 1 : i32
      %scan3A_16 = scf.for %scan3A_18 = %scan3A_12 to %scan3A_14 step %scan3A_15 iter_args(%scan3A_19 = %scan3A) -> (i32)  : i32 {
        %broadcast_in_dim3A = arith.constant 0.000000e+00 : f32
        %broadcast_in_dim3A_20 = vector.broadcast %broadcast_in_dim3A : f32 to vector<16xf32>
        %mul3A = arith.constant 128 : i32
        %mul3A_21 = arith.muli %scan3A_18, %mul3A : i32
        %add3A = arith.constant 0 : i32
        %add3A_22 = arith.addi %mul3A_21, %add3A : i32
        %swap3A = arith.index_cast %add3A_22 : i32 to index
        %swap3A_23 = tpu.vector_load %arg6[%swap3A] {strides = array<i32>} : memref<73728xf32, #tpu.memory_space<vmem>>, vector<16xf32>,
        %swap3A_24 = vector.shape_cast %swap3A_23 : vector<16xf32> to vector<16xf32>
        %swap3A_25 = vector.shape_cast %broadcast_in_dim3A_20 : vector<16xf32> to vector<16xf32>
        tpu.vector_store %arg6[%swap3A], %swap3A_25 {strides = array<i32>} : memref<73728xf32, #tpu.memory_space<vmem>>, vector<16xf32>,
        %broadcast_in_dim3A_26 = arith.constant 0.000000e+00 : f32
        %broadcast_in_dim3A_27 = vector.broadcast %broadcast_in_dim3A_26 : f32 to vector<16xf32>
        %mul3A_28 = arith.constant 128 : i32
        %mul3A_29 = arith.muli %scan3A_18, %mul3A_28 : i32
        %add3A_30 = arith.constant 16 : i32
        %add3A_31 = arith.addi %mul3A_29, %add3A_30 : i32
        %swap3A_32 = arith.index_cast %add3A_31 : i32 to index
        %swap3A_33 = tpu.vector_load %arg6[%swap3A_32] {strides = array<i32>} : memref<73728xf32, #tpu.memory_space<vmem>>, vector<16xf32>,
        %swap3A_34 = vector.shape_cast %swap3A_33 : vector<16xf32> to vector<16xf32>
        %swap3A_35 = vector.shape_cast %broadcast_in_dim3A_27 : vector<16xf32> to vector<16xf32>
        tpu.vector_store %arg6[%swap3A_32], %swap3A_35 {strides = array<i32>} : memref<73728xf32, #tpu.memory_space<vmem>>, vector<16xf32>,
        %broadcast_in_dim3A_36 = arith.constant 0.000000e+00 : f32
        %broadcast_in_dim3A_37 = vector.broadcast %broadcast_in_dim3A_36 : f32 to vector<16xf32>
        %mul3A_38 = arith.constant 128 : i32
        %mul3A_39 = arith.muli %scan3A_18, %mul3A_38 : i32
        %add3A_40 = arith.constant 32 : i32
        %add3A_41 = arith.addi %mul3A_39, %add3A_40 : i32
        %swap3A_42 = arith.index_cast %add3A_41 : i32 to index
        %swap3A_43 = tpu.vector_load %arg6[%swap3A_42] {strides = array<i32>} : memref<73728xf32, #tpu.memory_space<vmem>>, vector<16xf32>,
        %swap3A_44 = vector.shape_cast %swap3A_43 : vector<16xf32> to vector<16xf32>
        %swap3A_45 = vector.shape_cast %broadcast_in_dim3A_37 : vector<16xf32> to vector<16xf32>
        tpu.vector_store %arg6[%swap3A_42], %swap3A_45 {strides = array<i32>} : memref<73728xf32, #tpu.memory_space<vmem>>, vector<16xf32>,
        %broadcast_in_dim3A_46 = arith.constant 0.000000e+00 : f32
        %broadcast_in_dim3A_47 = vector.broadcast %broadcast_in_dim3A_46 : f32 to vector<16xf32>
        %mul3A_48 = arith.constant 128 : i32
        %mul3A_49 = arith.muli %scan3A_18, %mul3A_48 : i32
        %add3A_50 = arith.constant 48 : i32
        %add3A_51 = arith.addi %mul3A_49, %add3A_50 : i32
        %swap3A_52 = arith.index_cast %add3A_51 : i32 to index
        %swap3A_53 = tpu.vector_load %arg6[%swap3A_52] {strides = array<i32>} : memref<73728xf32, #tpu.memory_space<vmem>>, vector<16xf32>,
        %swap3A_54 = vector.shape_cast %swap3A_53 : vector<16xf32> to vector<16xf32>
        %swap3A_55 = vector.shape_cast %broadcast_in_dim3A_47 : vector<16xf32> to vector<16xf32>
        tpu.vector_store %arg6[%swap3A_52], %swap3A_55 {strides = array<i32>} : memref<73728xf32, #tpu.memory_space<vmem>>, vector<16xf32>,
        %broadcast_in_dim3A_56 = arith.constant 0.000000e+00 : f32
        %broadcast_in_dim3A_57 = vector.broadcast %broadcast_in_dim3A_56 : f32 to vector<16xf32>
        %mul3A_58 = arith.constant 128 : i32
        %mul3A_59 = arith.muli %scan3A_18, %mul3A_58 : i32
        %add3A_60 = arith.constant 64 : i32
        %add3A_61 = arith.addi %mul3A_59, %add3A_60 : i32
        %swap3A_62 = arith.index_cast %add3A_61 : i32 to index
        %swap3A_63 = tpu.vector_load %arg6[%swap3A_62] {strides = array<i32>} : memref<73728xf32, #tpu.memory_space<vmem>>, vector<16xf32>,
        %swap3A_64 = vector.shape_cast %swap3A_63 : vector<16xf32> to vector<16xf32>
        %swap3A_65 = vector.shape_cast %broadcast_in_dim3A_57 : vector<16xf32> to vector<16xf32>
        tpu.vector_store %arg6[%swap3A_62], %swap3A_65 {strides = array<i32>} : memref<73728xf32, #tpu.memory_space<vmem>>, vector<16xf32>,
        %broadcast_in_dim3A_66 = arith.constant 0.000000e+00 : f32
        %broadcast_in_dim3A_67 = vector.broadcast %broadcast_in_dim3A_66 : f32 to vector<16xf32>
        %mul3A_68 = arith.constant 128 : i32
        %mul3A_69 = arith.muli %scan3A_18, %mul3A_68 : i32
        %add3A_70 = arith.constant 80 : i32
        %add3A_71 = arith.addi %mul3A_69, %add3A_70 : i32
        %swap3A_72 = arith.index_cast %add3A_71 : i32 to index
        %swap3A_73 = tpu.vector_load %arg6[%swap3A_72] {strides = array<i32>} : memref<73728xf32, #tpu.memory_space<vmem>>, vector<16xf32>,
        %swap3A_74 = vector.shape_cast %swap3A_73 : vector<16xf32> to vector<16xf32>
        %swap3A_75 = vector.shape_cast %broadcast_in_dim3A_67 : vector<16xf32> to vector<16xf32>
        tpu.vector_store %arg6[%swap3A_72], %swap3A_75 {strides = array<i32>} : memref<73728xf32, #tpu.memory_space<vmem>>, vector<16xf32>,
        %broadcast_in_dim3A_76 = arith.constant 0.000000e+00 : f32
        %broadcast_in_dim3A_77 = vector.broadcast %broadcast_in_dim3A_76 : f32 to vector<16xf32>
        %mul3A_78 = arith.constant 128 : i32
        %mul3A_79 = arith.muli %scan3A_18, %mul3A_78 : i32
        %add3A_80 = arith.constant 96 : i32
        %add3A_81 = arith.addi %mul3A_79, %add3A_80 : i32
        %swap3A_82 = arith.index_cast %add3A_81 : i32 to index
        %swap3A_83 = tpu.vector_load %arg6[%swap3A_82] {strides = array<i32>} : memref<73728xf32, #tpu.memory_space<vmem>>, vector<16xf32>,
        %swap3A_84 = vector.shape_cast %swap3A_83 : vector<16xf32> to vector<16xf32>
        %swap3A_85 = vector.shape_cast %broadcast_in_dim3A_77 : vector<16xf32> to vector<16xf32>
        tpu.vector_store %arg6[%swap3A_82], %swap3A_85 {strides = array<i32>} : memref<73728xf32, #tpu.memory_space<vmem>>, vector<16xf32>,
        %broadcast_in_dim3A_86 = arith.constant 0.000000e+00 : f32
        %broadcast_in_dim3A_87 = vector.broadcast %broadcast_in_dim3A_86 : f32 to vector<16xf32>
        %mul3A_88 = arith.constant 128 : i32
        %mul3A_89 = arith.muli %scan3A_18, %mul3A_88 : i32
        %add3A_90 = arith.constant 112 : i32
        %add3A_91 = arith.addi %mul3A_89, %add3A_90 : i32
        %swap3A_92 = arith.index_cast %add3A_91 : i32 to index
        %swap3A_93 = tpu.vector_load %arg6[%swap3A_92] {strides = array<i32>} : memref<73728xf32, #tpu.memory_space<vmem>>, vector<16xf32>,
        %swap3A_94 = vector.shape_cast %swap3A_93 : vector<16xf32> to vector<16xf32>
        %swap3A_95 = vector.shape_cast %broadcast_in_dim3A_87 : vector<16xf32> to vector<16xf32>
        tpu.vector_store %arg6[%swap3A_92], %swap3A_95 {strides = array<i32>} : memref<73728xf32, #tpu.memory_space<vmem>>, vector<16xf32>,
        %scan3A_96 = arith.constant 0 : i32
        scf.yield %scan3A_96 : i32
      }
      %scan3A_17 = arith.constant 576 : i32
      tpu.enqueue_dma source(%arg6 : memref<73728xf32, #tpu.memory_space<vmem>>) target(%arg8 : memref<73728xf32, #tpu.memory_space<vmem_shared>>) target_semaphore(%arg10 : memref<!tpu.dma_semaphore, #tpu.memory_space<semaphore_mem>>)
      tpu.wait_dma2 semaphore(%arg10 : memref<!tpu.dma_semaphore, #tpu.memory_space<semaphore_mem>>) src(%arg6 : memref<73728xf32, #tpu.memory_space<vmem>>) dst(%arg8 : memref<73728xf32, #tpu.memory_space<vmem_shared>>)
    } else {
    }
    %dma_wait3A = arith.constant 0 : i32
    %dma_wait3A_5 = tpu.memref_slice %arg5[%dma_wait3A] : memref<32xi32, #tpu.memory_space<vmem>> -> memref<16xi32, #tpu.memory_space<vmem>>
    %dma_wait3A_6 = arith.constant 0 : i32
    %dma_wait3A_7 = tpu.memref_slice %arg5[%dma_wait3A_6] : memref<32xi32, #tpu.memory_space<vmem>> -> memref<16xi32, #tpu.memory_space<vmem>>
    tpu.wait_dma2 semaphore(%arg9 : memref<!tpu.dma_semaphore, #tpu.memory_space<semaphore_mem>>) src(%arg2 : memref<16xi32, #tpu.memory_space<hbm>>) dst(%dma_wait3A_7 : memref<16xi32, #tpu.memory_space<vmem>>)
    %barrier3A = arith.constant 0 : index
    tpu.barrier barrier_id(%barrier3A)
    %lt3A = arith.constant 8 : i32
    %lt3A_8 = arith.cmpi slt, %arg1, %lt3A : i32
    %convert_element_type3A_9 = arith.extui %lt3A_8 : i1 to i32
    %cond3A_10 = arith.constant 0 : i32
    %cond3A_11 = arith.cmpi ne, %convert_element_type3A_9, %cond3A_10 : i32
    scf.if %cond3A_11 {
      %scan3A = arith.constant 0 : i32
      %scan3A_12 = arith.constant 0 : i32
      %scan3A_13 = arith.constant 36 : i32
      %scan3A_14 = arith.addi %scan3A_12, %scan3A_13 : i32
      %scan3A_15 = arith.constant 1 : i32
      %scan3A_16 = scf.for %scan3A_18 = %scan3A_12 to %scan3A_14 step %scan3A_15 iter_args(%scan3A_19 = %scan3A) -> (i32)  : i32 {
        %mul3A = arith.constant 8 : i32
        %mul3A_20 = arith.muli %scan3A_18, %mul3A : i32
        %add3A = arith.addi %mul3A_20, %arg1 : i32
        %mul3A_21 = arith.constant 288 : i32
        %mul3A_22 = arith.muli %arg0, %mul3A_21 : i32
        %add3A_23 = arith.addi %mul3A_22, %add3A : i32
        %jit3A = arith.constant 6 : i32
        %div3A = arith.divsi %add3A_23, %jit3A : i32
        %sign3A = arith.constant 0 : i32
        %sign3A_24 = arith.cmpi sgt, %add3A_23, %sign3A : i32
        %sign3A_25 = arith.extui %sign3A_24 : i1 to i32
        %sign3A_26 = arith.constant 0 : i32
        %sign3A_27 = arith.cmpi slt, %add3A_23, %sign3A_26 : i32
        %sign3A_28 = arith.extui %sign3A_27 : i1 to i32
        %sign3A_29 = arith.subi %sign3A_25, %sign3A_28 : i32
        %sign3A_30 = arith.constant 0 : i32
        %sign3A_31 = arith.cmpi sgt, %jit3A, %sign3A_30 : i32
        %sign3A_32 = arith.extui %sign3A_31 : i1 to i32
        %sign3A_33 = arith.constant 0 : i32
        %sign3A_34 = arith.cmpi slt, %jit3A, %sign3A_33 : i32
        %sign3A_35 = arith.extui %sign3A_34 : i1 to i32
        %sign3A_36 = arith.subi %sign3A_32, %sign3A_35 : i32
        %ne3A = arith.cmpi ne, %sign3A_29, %sign3A_36 : i32
        %rem3A = arith.remsi %add3A_23, %jit3A : i32
        %ne3A_37 = arith.constant 0 : i32
        %ne3A_38 = arith.cmpi ne, %rem3A, %ne3A_37 : i32
        %and3A = arith.andi %ne3A, %ne3A_38 : i1
        %sub3A = arith.constant 1 : i32
        %sub3A_39 = arith.subi %div3A, %sub3A : i32
        %select_n3A = arith.select %and3A, %sub3A_39, %div3A : i32
        %jit3A_40 = arith.constant 6 : i32
        %div3A_41 = arith.divsi %select_n3A, %jit3A_40 : i32
        %sign3A_42 = arith.constant 0 : i32
        %sign3A_43 = arith.cmpi sgt, %select_n3A, %sign3A_42 : i32
        %sign3A_44 = arith.extui %sign3A_43 : i1 to i32
        %sign3A_45 = arith.constant 0 : i32
        %sign3A_46 = arith.cmpi slt, %select_n3A, %sign3A_45 : i32
        %sign3A_47 = arith.extui %sign3A_46 : i1 to i32
        %sign3A_48 = arith.subi %sign3A_44, %sign3A_47 : i32
        %sign3A_49 = arith.constant 0 : i32
        %sign3A_50 = arith.cmpi sgt, %jit3A_40, %sign3A_49 : i32
        %sign3A_51 = arith.extui %sign3A_50 : i1 to i32
        %sign3A_52 = arith.constant 0 : i32
        %sign3A_53 = arith.cmpi slt, %jit3A_40, %sign3A_52 : i32
        %sign3A_54 = arith.extui %sign3A_53 : i1 to i32
        %sign3A_55 = arith.subi %sign3A_51, %sign3A_54 : i32
        %ne3A_56 = arith.cmpi ne, %sign3A_48, %sign3A_55 : i32
        %rem3A_57 = arith.remsi %select_n3A, %jit3A_40 : i32
        %ne3A_58 = arith.constant 0 : i32
        %ne3A_59 = arith.cmpi ne, %rem3A_57, %ne3A_58 : i32
        %and3A_60 = arith.andi %ne3A_56, %ne3A_59 : i1
        %sub3A_61 = arith.constant 1 : i32
        %sub3A_62 = arith.subi %div3A_41, %sub3A_61 : i32
        %select_n3A_63 = arith.select %and3A_60, %sub3A_62, %div3A_41 : i32
        %get3A = arith.index_cast %select_n3A_63 : i32 to index
        %get3A_64 = tpu.vector_load %arg5[%get3A] {strides = array<i32>} : memref<32xi32, #tpu.memory_space<vmem>>, vector<16xi32>,
        %get3A_65 = vector.shape_cast %get3A_64 : vector<16xi32> to vector<16xi32>
        %slice3A = vector.extract_strided_slice %get3A_65 {offsets = [0], sizes = [1], strides = [1]} : vector<16xi32> to vector<1xi32>
        %squeeze3A = vector.extract %slice3A[0] : i32 from vector<1xi32>
        %jit3A_66 = arith.constant 6 : i32
        %eq3A_67 = arith.constant 0 : i32
        %eq3A_68 = arith.cmpi eq, %jit3A_66, %eq3A_67 : i32
        %jit3A_69 = arith.constant 1 : i32
        %select_n3A_70 = arith.select %eq3A_68, %jit3A_69, %jit3A_66 : i32
        %rem3A_71 = arith.remsi %select_n3A, %select_n3A_70 : i32
        %ne3A_72 = arith.constant 0 : i32
        %ne3A_73 = arith.cmpi ne, %rem3A_71, %ne3A_72 : i32
        %lt3A_74 = arith.constant 0 : i32
        %lt3A_75 = arith.cmpi slt, %rem3A_71, %lt3A_74 : i32
        %lt3A_76 = arith.constant 0 : i32
        %lt3A_77 = arith.cmpi slt, %select_n3A_70, %lt3A_76 : i32
        %ne3A_78 = arith.xori %lt3A_75, %lt3A_77 : i1
        %and3A_79 = arith.andi %ne3A_78, %ne3A_73 : i1
        %add3A_80 = arith.addi %rem3A_71, %select_n3A_70 : i32
        %select_n3A_81 = arith.select %and3A_79, %add3A_80, %rem3A_71 : i32
        %ne3A_82 = arith.cmpi ne, %squeeze3A, %select_n3A_81 : i32
        %convert_element_type3A_83 = arith.extui %ne3A_82 : i1 to i32
        %cond3A_84 = arith.constant 0 : i32
        %cond3A_85 = arith.cmpi ne, %convert_element_type3A_83, %cond3A_84 : i32
        scf.if %cond3A_85 {
          %dma_start3A_91 = arith.constant 0 : i32
          %dma_start3A_92 = tpu.memref_slice %arg7[%arg1, %dma_start3A_91] : memref<8x73728xf32, #tpu.memory_space<vmem_shared>> -> memref<1x73728xf32, #tpu.memory_space<vmem_shared>>
          %dma_start3A_93 = tpu.memref_squeeze %dma_start3A_92 : memref<1x73728xf32, #tpu.memory_space<vmem_shared>> -> memref<73728xf32, #tpu.memory_space<vmem_shared>>
          %dma_start3A_94 = arith.constant 0 : i32
          %dma_start3A_95 = tpu.memref_slice %arg3[%add3A_23, %dma_start3A_94] : memref<576x73728xf32, #tpu.memory_space<hbm>> -> memref<1x73728xf32, #tpu.memory_space<hbm>>
          %dma_start3A_96 = tpu.memref_squeeze %dma_start3A_95 : memref<1x73728xf32, #tpu.memory_space<hbm>> -> memref<73728xf32, #tpu.memory_space<hbm>>
          tpu.enqueue_dma source(%dma_start3A_96 : memref<73728xf32, #tpu.memory_space<hbm>>) target(%dma_start3A_93 : memref<73728xf32, #tpu.memory_space<vmem_shared>>) target_semaphore(%arg11 : memref<!tpu.dma_semaphore, #tpu.memory_space<semaphore_mem>>)
          %dma_wait3A_97 = arith.constant 0 : i32
          %dma_wait3A_98 = tpu.memref_slice %arg7[%arg1, %dma_wait3A_97] : memref<8x73728xf32, #tpu.memory_space<vmem_shared>> -> memref<1x73728xf32, #tpu.memory_space<vmem_shared>>
          %dma_wait3A_99 = tpu.memref_squeeze %dma_wait3A_98 : memref<1x73728xf32, #tpu.memory_space<vmem_shared>> -> memref<73728xf32, #tpu.memory_space<vmem_shared>>
          %dma_wait3A_100 = arith.constant 0 : i32
          %dma_wait3A_101 = tpu.memref_slice %arg3[%add3A_23, %dma_wait3A_100] : memref<576x73728xf32, #tpu.memory_space<hbm>> -> memref<1x73728xf32, #tpu.memory_space<hbm>>
          %dma_wait3A_102 = tpu.memref_squeeze %dma_wait3A_101 : memref<1x73728xf32, #tpu.memory_space<hbm>> -> memref<73728xf32, #tpu.memory_space<hbm>>
          tpu.wait_dma2 semaphore(%arg11 : memref<!tpu.dma_semaphore, #tpu.memory_space<semaphore_mem>>) src(%dma_wait3A_102 : memref<73728xf32, #tpu.memory_space<hbm>>) dst(%dma_wait3A_99 : memref<73728xf32, #tpu.memory_space<vmem_shared>>)
          %dma_start3A_103 = arith.constant 0 : i32
          %dma_start3A_104 = tpu.memref_slice %arg4[%add3A_23, %dma_start3A_103] : memref<576x73728xf32, #tpu.memory_space<hbm>> -> memref<1x73728xf32, #tpu.memory_space<hbm>>
          %dma_start3A_105 = tpu.memref_squeeze %dma_start3A_104 : memref<1x73728xf32, #tpu.memory_space<hbm>> -> memref<73728xf32, #tpu.memory_space<hbm>>
          %dma_start3A_106 = arith.constant 0 : i32
          %dma_start3A_107 = tpu.memref_slice %arg7[%arg1, %dma_start3A_106] : memref<8x73728xf32, #tpu.memory_space<vmem_shared>> -> memref<1x73728xf32, #tpu.memory_space<vmem_shared>>
          %dma_start3A_108 = tpu.memref_squeeze %dma_start3A_107 : memref<1x73728xf32, #tpu.memory_space<vmem_shared>> -> memref<73728xf32, #tpu.memory_space<vmem_shared>>
          tpu.enqueue_dma source(%dma_start3A_108 : memref<73728xf32, #tpu.memory_space<vmem_shared>>) target(%dma_start3A_105 : memref<73728xf32, #tpu.memory_space<hbm>>) target_semaphore(%arg12 : memref<!tpu.dma_semaphore, #tpu.memory_space<semaphore_mem>>)
          %dma_wait3A_109 = arith.constant 0 : i32
          %dma_wait3A_110 = tpu.memref_slice %arg4[%add3A_23, %dma_wait3A_109] : memref<576x73728xf32, #tpu.memory_space<hbm>> -> memref<1x73728xf32, #tpu.memory_space<hbm>>
          %dma_wait3A_111 = tpu.memref_squeeze %dma_wait3A_110 : memref<1x73728xf32, #tpu.memory_space<hbm>> -> memref<73728xf32, #tpu.memory_space<hbm>>
          %dma_wait3A_112 = arith.constant 0 : i32
          %dma_wait3A_113 = tpu.memref_slice %arg7[%arg1, %dma_wait3A_112] : memref<8x73728xf32, #tpu.memory_space<vmem_shared>> -> memref<1x73728xf32, #tpu.memory_space<vmem_shared>>
          %dma_wait3A_114 = tpu.memref_squeeze %dma_wait3A_113 : memref<1x73728xf32, #tpu.memory_space<vmem_shared>> -> memref<73728xf32, #tpu.memory_space<vmem_shared>>
          tpu.wait_dma2 semaphore(%arg12 : memref<!tpu.dma_semaphore, #tpu.memory_space<semaphore_mem>>) src(%dma_wait3A_114 : memref<73728xf32, #tpu.memory_space<vmem_shared>>) dst(%dma_wait3A_111 : memref<73728xf32, #tpu.memory_space<hbm>>)
        } else {
        }
        %not3A = arith.constant true
        %not3A_86 = arith.xori %ne3A_82, %not3A : i1
        %convert_element_type3A_87 = arith.extui %not3A_86 : i1 to i32
        %cond3A_88 = arith.constant 0 : i32
        %cond3A_89 = arith.cmpi ne, %convert_element_type3A_87, %cond3A_88 : i32
        scf.if %cond3A_89 {
          %dma_start3A_91 = arith.constant 0 : i32
          %dma_start3A_92 = tpu.memref_slice %arg4[%add3A_23, %dma_start3A_91] : memref<576x73728xf32, #tpu.memory_space<hbm>> -> memref<1x73728xf32, #tpu.memory_space<hbm>>
          %dma_start3A_93 = tpu.memref_squeeze %dma_start3A_92 : memref<1x73728xf32, #tpu.memory_space<hbm>> -> memref<73728xf32, #tpu.memory_space<hbm>>
          tpu.enqueue_dma source(%arg8 : memref<73728xf32, #tpu.memory_space<vmem_shared>>) target(%dma_start3A_93 : memref<73728xf32, #tpu.memory_space<hbm>>) target_semaphore(%arg12 : memref<!tpu.dma_semaphore, #tpu.memory_space<semaphore_mem>>)
          %dma_wait3A_94 = arith.constant 0 : i32
          %dma_wait3A_95 = tpu.memref_slice %arg4[%add3A_23, %dma_wait3A_94] : memref<576x73728xf32, #tpu.memory_space<hbm>> -> memref<1x73728xf32, #tpu.memory_space<hbm>>
          %dma_wait3A_96 = tpu.memref_squeeze %dma_wait3A_95 : memref<1x73728xf32, #tpu.memory_space<hbm>> -> memref<73728xf32, #tpu.memory_space<hbm>>
          tpu.wait_dma2 semaphore(%arg12 : memref<!tpu.dma_semaphore, #tpu.memory_space<semaphore_mem>>) src(%arg8 : memref<73728xf32, #tpu.memory_space<vmem_shared>>) dst(%dma_wait3A_96 : memref<73728xf32, #tpu.memory_space<hbm>>)
        } else {
        }
        %scan3A_90 = arith.constant 0 : i32
        scf.yield %scan3A_90 : i32
      }
      %scan3A_17 = arith.constant 36 : i32
    } else {
    }
    return
  }
}

module attributes {stable_mosaic.version = 14 : i64} {
  func.func @_tc_body(%arg0: i32, %arg1: memref<16xi32, #tpu.memory_space<smem>>, %arg2: memref<1x128x1152xf32, #tpu.memory_space<vmem>>, %arg3: memref<1x128x1152xf32, #tpu.memory_space<vmem>>) attributes {dimension_semantics = [#tpu.dimension_semantics<arbitrary>], iteration_bounds = array<i64: 96>, scalar_prefetch = 1 : i64, scratch_operands = 0 : i64, tpu.core_type = #tpu.core_type<tc>, window_params = [{transform_indices = @transform_0, window_bounds = array<i64: 1, 128, 1152>}, {transform_indices = @transform_1, window_bounds = array<i64: 1, 128, 1152>}]} {
    %jit3A = arith.constant 6 : i32
    %div3A = arith.divsi %arg0, %jit3A : i32
    %sign3A = arith.constant 0 : i32
    %sign3A_0 = arith.cmpi sgt, %arg0, %sign3A : i32
    %sign3A_1 = arith.extui %sign3A_0 : i1 to i32
    %sign3A_2 = arith.constant 0 : i32
    %sign3A_3 = arith.cmpi slt, %arg0, %sign3A_2 : i32
    %sign3A_4 = arith.extui %sign3A_3 : i1 to i32
    %sign3A_5 = arith.subi %sign3A_1, %sign3A_4 : i32
    %sign3A_6 = arith.constant 0 : i32
    %sign3A_7 = arith.cmpi sgt, %jit3A, %sign3A_6 : i32
    %sign3A_8 = arith.extui %sign3A_7 : i1 to i32
    %sign3A_9 = arith.constant 0 : i32
    %sign3A_10 = arith.cmpi slt, %jit3A, %sign3A_9 : i32
    %sign3A_11 = arith.extui %sign3A_10 : i1 to i32
    %sign3A_12 = arith.subi %sign3A_8, %sign3A_11 : i32
    %ne3A = arith.cmpi ne, %sign3A_5, %sign3A_12 : i32
    %rem3A = arith.remsi %arg0, %jit3A : i32
    %ne3A_13 = arith.constant 0 : i32
    %ne3A_14 = arith.cmpi ne, %rem3A, %ne3A_13 : i32
    %and3A = arith.andi %ne3A, %ne3A_14 : i1
    %sub3A = arith.constant 1 : i32
    %sub3A_15 = arith.subi %div3A, %sub3A : i32
    %select_n3A = arith.select %and3A, %sub3A_15, %div3A : i32
    %get3A = arith.index_cast %select_n3A : i32 to index
    %get3A_16 = memref.load %arg1[%get3A] : memref<16xi32, #tpu.memory_space<smem>>
    %jit3A_17 = arith.constant 6 : i32
    %eq3A = arith.constant 0 : i32
    %eq3A_18 = arith.cmpi eq, %jit3A_17, %eq3A : i32
    %jit3A_19 = arith.constant 1 : i32
    %select_n3A_20 = arith.select %eq3A_18, %jit3A_19, %jit3A_17 : i32
    %rem3A_21 = arith.remsi %arg0, %select_n3A_20 : i32
    %ne3A_22 = arith.constant 0 : i32
    %ne3A_23 = arith.cmpi ne, %rem3A_21, %ne3A_22 : i32
    %lt3A = arith.constant 0 : i32
    %lt3A_24 = arith.cmpi slt, %rem3A_21, %lt3A : i32
    %lt3A_25 = arith.constant 0 : i32
    %lt3A_26 = arith.cmpi slt, %select_n3A_20, %lt3A_25 : i32
    %ne3A_27 = arith.xori %lt3A_24, %lt3A_26 : i1
    %and3A_28 = arith.andi %ne3A_27, %ne3A_23 : i1
    %add3A = arith.addi %rem3A_21, %select_n3A_20 : i32
    %select_n3A_29 = arith.select %and3A_28, %add3A, %rem3A_21 : i32
    %eq3A_30 = arith.cmpi eq, %get3A_16, %select_n3A_29 : i32
    %jit3A_31 = arith.constant 0.000000e+00 : f32
    %jit3A_32 = arith.constant 1.000000e+00 : f32
    %select_n3A_33 = arith.select %eq3A_30, %jit3A_31, %jit3A_32 : f32
    %get3A_34 = arith.constant 0 : index
    %get3A_35 = arith.constant 0 : index
    %get3A_36 = arith.constant 0 : index
    %get3A_37 = vector.load %arg2[%get3A_34, %get3A_35, %get3A_36] : memref<1x128x1152xf32, #tpu.memory_space<vmem>>, vector<1x128x1152xf32>
    %mul3A = vector.broadcast %select_n3A_33 : f32 to vector<1x128x1152xf32>
    %mul3A_38 = arith.mulf %get3A_37, %mul3A : vector<1x128x1152xf32>
    %swap3A = arith.constant 0 : index
    %swap3A_39 = arith.constant 0 : index
    %swap3A_40 = arith.constant 0 : index
    %swap3A_41 = vector.load %arg3[%swap3A, %swap3A_39, %swap3A_40] : memref<1x128x1152xf32, #tpu.memory_space<vmem>>, vector<1x128x1152xf32>
    tpu.vector_store %arg3[%swap3A, %swap3A_39, %swap3A_40], %mul3A_38 {strides = array<i32>} : memref<1x128x1152xf32, #tpu.memory_space<vmem>>, vector<1x128x1152xf32>,
    return
  }
  func.func @transform_0(%arg0: i32, %arg1: memref<16xi32, #tpu.memory_space<smem>>) -> (i32, i32, i32) {
    %c0_i32 = arith.constant 0 : i32
    %c0_i32_0 = arith.constant 0 : i32
    %c0_i32_1 = arith.constant 0 : i32
    return %arg0, %c0_i32, %c0_i32_0 : i32, i32, i32
  }
  func.func @transform_1(%arg0: i32, %arg1: memref<16xi32, #tpu.memory_space<smem>>) -> (i32, i32, i32) {
    %c0_i32 = arith.constant 0 : i32
    %c0_i32_0 = arith.constant 0 : i32
    %c0_i32_1 = arith.constant 0 : i32
    return %arg0, %c0_i32, %c0_i32_0 : i32, i32, i32
  }
}

</mosaic_0001>

<sc_bundles>
// kernel: kernel.4.cloned.1.call-start
scs
__scs_entry_jumppad:
0x0: {  	(pc) =	sbr.rel $0x88, $3  }
0x1: {  	(tag) =	ssettag $0x0;
	lr =	simm.s32 $0x1  }
0x2: {  	[smem:$0x3F9D] =	sst lr;
	_ =	strace $0xD0000000  }
0x3: {  	_ = 	snop  }
0x4: {  	_ = 	snop  }
0x5: {  	_ = 	snop  }
0x6: {  	_ = 	snop  }
0x7: {  	_ = 	snop  }
__scs_overlays_trampoline_lowered:
0x8: {  	[smem:$0x3FAC] =	sst s0  }
0x9: {  	[smem:$0x3FAD] =	sst s1  }
0xa: {  	[smem:$0x3FAE] =	sst s2  }
0xb: {  	[smem:$0x3FAF] =	sst s3  }
0xc: {  	[smem:$0x3FB0] =	sst s4  }
0xd: {  	[smem:$0x3FB1] =	sst s5  }
0xe: {  	[smem:$0x3FB2] =	sst s6  }
0xf: {  	[smem:$0x3FB3] =	sst s7  }
0x10: {  	[smem:$0x3FB4] =	sst s8  }
0x11: {  	[smem:$0x3FB5] =	sst s9;
	s0 =	simm.s32 @!p0 $0x0  }
0x12: {  	s1 =	sld [smem:$0x3F9B];
	s0 =	simm.s32 @p0 $0x1  }
0x13: {  	[smem:$0x3FB6] =	sst s0;
	s0 =	simm.s32 @!p1 $0x0  }
0x14: {  	s2 =	sld [smem:$0x3F9A];
	s0 =	simm.s32 @p1 $0x1  }
0x15: {  	[smem:$0x3FB7] =	sst s0;
	s0 =	simm.s32 @!p2 $0x0  }
0x16: {  	s3 =	sld [smem:$0x3FDB];
	s0 =	simm.s32 @p2 $0x1  }
0x17: {  	s4 =	simm.s32 $0x1BF5;
	[smem:$0x3FB9] =	sst s0  }
0x18: {  	s0 =	sld [smem:$0x3F9C];
	_ =	swait.ge [sflag:s4], $0x0  }
0x19: {  	s7 =	sld [smem:$0x3F9D]  }
0x1a: {  	s8 =	sadd.s32 $0xFFFFE003, lr  }
0x1b: {  	s9 =	sadd.s32 $0xFFFFFEF7, lr;
	s5 =	simm.s32 $0xFFFFFFFF;
	p2 =	slt.u32 s8, $0xFFFFF086  }
0x1c: {  	p1 =	slt.u32 s9, $0xF7A;
	s5 =	simm.s32 @!p2 $0x0  }
0x1d: {  	s5 =	simm.s32 @p1 $0x1;
	p0 =	seq.s32 s7, s2  }
0x1e: {  	s7 =	smul.u32 @!p0 $0xF7A, s2;
	p2 =	seq.s32 @!p0 s5, $0x0  }
0x1f: {  	s9 =	smul.u32 $0xF7A, s1;
	s8 =	simm.s32 @!p0 $0x1BF5;
	p2 =	por !p2, p0  }
0x20: {  	[sflag:s8] =	ssyncset.s32 @!p0 $0xFFFFF086;
	s6 =	sadd.s32 @!p0 s3, s7;
	s7 =	simm.s32 @!p0 $0x108  }
0x21: {  	s3 =	sadd.s32 s3, s9;
	s6 =	sadd.s32 @!p0 $0x88, s6;
	s7 =	simm.s32 @p2 $0x1082  }
0x22: {  	[simem:s7], [sflag:s8] =	dma.local @!p0 [hbm:s6], $0xF7A  }
0x23: {  	s9 =	sor.u32 $0xD0000000, s2;
	s6 =	simm.s32 $0x108;
	_ =	swait.ge @!p0 [sflag:s8], $0x0  }
0x24: {  	s3 =	sadd.s32 $0x88, s3;
	s6 =	simm.s32 @!p1 $0x1082;
	[sflag:s4] =	ssyncset.s32 $0xFFFFF086  }
0x25: {  	[simem:s6], [sflag:s4] =	dma.local [hbm:s3], $0xF7A  }
0x26: {  	[smem:$0x3F9D] =	sst s1;
	(tag) =	ssettag s2;
	_ =	strace s9  }
0x27: {  	s1 =	sld [smem:$0x3FAD]  }
0x28: {  	s2 =	sld [smem:$0x3FAE]  }
0x29: {  	s4 =	sld [smem:$0x3FB0]  }
0x2a: {  	p0 =	seq.s32 s5, $0x0;
	s5 =	sld [smem:$0x3FB1]  }
0x2b: {  	s6 =	sld [smem:$0x3FB2]  }
0x2c: {  	s7 =	sld [smem:$0x3FB3]  }
0x2d: {  	s3 =	simm.s32 $0x108;
	s8 =	sld [smem:$0x3FB4]  }
0x2e: {  	s3 =	simm.s32 @!p0 $0x1082;
	s9 =	sld [smem:$0x3FB5]  }
0x2f: {  	lr =	sadd.s32 s0, s3;
	s0 =	sld [smem:$0x3FAC]  }
0x30: {  	s3 =	sld [smem:$0x3FAF]  }
0x31: {  	[smem:$0x3FB8] =	sst s10  }
0x32: {  	s10 =	sld [smem:$0x3FB6];
	_ =	sdelay $0x3  }
0x33: {  	p0 =	seq.s32 s10, $0x1;
	s10 =	sld [smem:$0x3FB8];
	_ =	sdelay $0x3  }
0x34: {  	[smem:$0x3FB8] =	sst s10  }
0x35: {  	s10 =	sld [smem:$0x3FB7];
	_ =	sdelay $0x3  }
0x36: {  	p1 =	seq.s32 s10, $0x1;
	s10 =	sld [smem:$0x3FB8];
	_ =	sdelay $0x3  }
0x37: {  	[smem:$0x3FB8] =	sst s10  }
0x38: {  	s10 =	sld [smem:$0x3FB9]  }
0x39: {  	_ = 	snop;
	(pc) =	sbr.ind lr, $3  }
0x3a: {  	_ = 	snop  }
0x3b: {  	_ = 	snop  }
0x3c: {  	p2 =	seq.s32 s10, $0x1;
	s10 =	sld [smem:$0x3FB8]  }
0x3d: {  	_ =	shalt  }
0x3e: {  	_ =	shalt  }
0x3f: {  	_ =	shalt  }
0x40: {  	_ =	shalt  }
0x41: {  	_ =	shalt  }
0x42: {  	_ =	shalt  }
0x43: {  	_ =	shalt  }
0x44: {  	_ =	shalt  }
0x45: {  	_ =	shalt  }
0x46: {  	_ =	shalt  }
0x47: {  	_ =	shalt  }
0x48: {  	_ =	shalt  }
0x49: {  	_ =	shalt  }
0x4a: {  	_ =	shalt  }
0x4b: {  	_ =	shalt  }
0x4c: {  	_ =	shalt  }
0x4d: {  	_ =	shalt  }
0x4e: {  	_ =	shalt  }
0x4f: {  	_ =	shalt  }
0x50: {  	_ =	shalt  }
0x51: {  	_ =	shalt  }
0x52: {  	_ =	shalt  }
0x53: {  	_ =	shalt  }
0x54: {  	_ =	shalt  }
0x55: {  	_ =	shalt  }
0x56: {  	_ =	shalt  }
0x57: {  	_ =	shalt  }
0x58: {  	_ =	shalt  }
0x59: {  	_ =	shalt  }
0x5a: {  	_ =	shalt  }
0x5b: {  	_ =	shalt  }
0x5c: {  	_ =	shalt  }
0x5d: {  	_ =	shalt  }
0x5e: {  	_ =	shalt  }
0x5f: {  	_ =	shalt  }
0x60: {  	_ =	shalt  }
0x61: {  	_ =	shalt  }
0x62: {  	_ =	shalt  }
0x63: {  	_ =	shalt  }
0x64: {  	_ =	shalt  }
0x65: {  	_ =	shalt  }
0x66: {  	_ =	shalt  }
0x67: {  	_ =	shalt  }
0x68: {  	_ =	shalt  }
0x69: {  	_ =	shalt  }
0x6a: {  	_ =	shalt  }
0x6b: {  	_ =	shalt  }
0x6c: {  	_ =	shalt  }
0x6d: {  	_ =	shalt  }
0x6e: {  	_ =	shalt  }
0x6f: {  	_ =	shalt  }
0x70: {  	_ =	shalt  }
0x71: {  	_ =	shalt  }
0x72: {  	_ =	shalt  }
0x73: {  	_ =	shalt  }
0x74: {  	_ =	shalt  }
0x75: {  	_ =	shalt  }
0x76: {  	_ =	shalt  }
0x77: {  	_ =	shalt  }
0x78: {  	_ =	shalt  }
0x79: {  	_ =	shalt  }
0x7a: {  	_ =	shalt  }
0x7b: {  	_ =	shalt  }
0x7c: {  	_ =	shalt  }
0x7d: {  	_ =	shalt  }
0x7e: {  	_ =	shalt  }
0x7f: {  	_ =	shalt  }
0x80: {  	_ =	shalt  }
0x81: {  	_ =	shalt  }
0x82: {  	_ =	shalt  }
0x83: {  	_ =	shalt  }
0x84: {  	_ =	shalt  }
0x85: {  	_ =	shalt  }
0x86: {  	_ =	shalt  }
0x87: {  	_ =	shalt  }
.Lfunc_end0:
.L_simem_size_0:
called_computation_lowered:
.L_overlay_start_0:
0x88: {  	s2 =	sld [smem:$0x3FD9]  }
0x89: {  	s3 =	sld [smem:$0x3FFE];
	_ =	sdelay $0x1  }
0x8a: {  	s1 =	srdreg.scid  }
0x8b: {  	s0 =	sand.u32 $0x1, s1  }
0x8c: {  	s14 =	sshll.u32 s0, $0xA;
	s2 =	sadd.s32 s3, s2  }
0x8d: {  	s2 =	sadd.s32 s2, s14  }
0x8e: {  	[smem:$0x3FC4] =	sst s2  }
0x8f: {  	_ = 	snop  }
0x90: {  	s2 =	sld [smem:$0x3FD0];
	_ =	sdelay $0x2  }
0x91: {  	s4 =	simm.s32 $0xA;
	s5 =	simm.s32 $0x10;
	s15 =	sld [smem:$0x3FC6]  }
0x92: {  	[smem:s5], [sflag:s4] =	dma.local [hbm:s2], $0x1  }
0x93: {  	_ =	swait.eq [sflag:s4], $0x1  }
0x94: {  	[sflag:s4] =	ssyncset.done $0x0  }
0x95: {  	[sflag:s4] =	ssyncadd.s32 $0xFFFFFFFF  }
0x96: {  	s16 =	sld [smem:$0x10];
	(tm) =	ssettm $0x1  }
0x97: {  	s17 =	sld [smem:$0x3FFB];
	_ =	sdelay $0x3  }
0x98: {  	_ =	strace s17  }
0x99: {  	s4 =	sld [smem:$0x3FFC];
	_ =	sdelay $0x3  }
0x9a: {  	_ =	strace s4  }
0x9b: {  	s4 =	sld [smem:$0x3FFD];
	_ =	sdelay $0x3  }
0x9c: {  	_ =	strace s4  }
0x9d: {  	_ =	strace $0x8FFFFFFF  }
0x9e: {  	s18 =	sld [smem:$0x3FDB];
	_ =	sdelay $0x1  }
0x9f: {  	s19 =	simm.s32 $_scs_section_size  }
0xa0: {  	s6 =	simm.s32 $_size__tile_overlayer_lowered;
	s7 =	simm.s32 $_tile_overlayer_lowered  }
0xa1: {  	s22 =	simm.s32 $0x1BFF;
	s21 =	sshll.u32 s7, $0x1;
	s4 =	sadd.s32 s19, s18  }
0xa2: {  	s8 =	simm.s32 $0x0;
	s20 =	sshll.u32 s6, $0x1;
	s6 =	sadd.s32 s21, s4  }
0xa3: {  	[timem:s8], [sflag:s22] =	dma.local [hbm:s6], s20  }
0xa4: {  	_ =	swait.ge [sflag:s22], s20  }
0xa5: {  	s5 =	ssub.s32 $0x0, s20;
	[sflag:s22] =	ssyncset.done $0x0  }
0xa6: {  	[sflag:s22] =	ssyncadd.s32 s5;
	_ =	sdelay $0x1  }
0xa7: {  	s23 =	simm.s32 $0x1B8B  }
0xa8: {  	_ =	swait.ge [sflag:s23], $0x1  }
0xa9: {  	[sflag:s23] =	ssyncset.done $0x0  }
0xaa: {  	s25 =	simm.s32 $0x1B8E;
	s24 =	sld [smem:$0x3FFE];
	[sflag:s23] =	ssyncadd.s32 $0xFFFFFFFF  }
0xab: {  	s26 =	simm.s32 $execute0_lowered;
	[smem:$0x3FD2] =	sst s25  }
0xac: {  	s6 =	sshll.u32 s26, $0x1;
	_ =	strace $0x80000046;
	[dreg:$0x1] =	wrdreg $0xFFFFFFFF  }
0xad: {  	s28 =	simm.s32 $_size_execute0_lowered;
	s4 =	sadd.s32 s4, s6;
	[dreg:$0x0] =	wrdreg $0x0  }
0xae: {  	s6 =	sshll.u32 s28, $0x1;
	[dreg:$0x2] =	wrdreg s4  }
0xaf: {  	[dreg:$0x3] =	wrdreg s6  }
0xb0: {  	[dreg:$0x4] =	wrdreg $0xC0  }
0xb1: {  	_ =	task [dreg:s8], $0x5FFFF  }
0xb2: {  	[dreg:$0x1] =	wrdreg $0xFFFFFFFF  }
0xb3: {  	[dreg:$0x0] =	wrdreg $0x60  }
0xb4: {  	[dreg:$0x2] =	wrdreg s15  }
0xb5: {  	[dreg:$0x3] =	wrdreg s16  }
0xb6: {  	[dreg:$0x4] =	wrdreg s24  }
0xb7: {  	[dreg:$0x5] =	wrdreg $0x1B0800  }
0xb8: {  	[dreg:$0x6] =	wrdreg $0x120800  }
0xb9: {  	[dreg:$0x7] =	wrdreg $0x9  }
0xba: {  	_ =	task.clear_ibuf [dreg:s8], $0x8FFFF;
	_ =	strace $0x90000046  }
0xbb: {  	s29 =	simm.s32 $0x9;
	_ =	strace $0x80000048  }
0xbc: {  	_ =	swait.ge [sflag:s29], $0x1  }
0xbd: {  	[sflag:s29] =	ssyncadd.s32 $0xFFFFFFFF  }
0xbe: {  	_ =	strace $0x90000048  }
0xbf: {  	_ =	sfence  }
0xc0: {  	s30 =	sld [smem:$0x0];
	_ =	sdelay $0x2  }
0xc1: {  	s31 =	sshll.u32 s1, $0xD;
	s1 =	sshrl.u32 s1, $0x2  }
0xc2: {  	s3 =	sand.u32 $0x4000, s31;
	s1 =	sadd.s32 s1, s30  }
0xc3: {  	s0 =	sor.u32 s3, s0;
	s1 =	sshll.u32 s1, $0x11  }
0xc4: {  	s0 =	sor.u32 s1, s0  }
0xc5: {  	s0 =	sadd.s32 $0x8F2B, s0  }
0xc6: {  	[sflag:s0] =	ssyncadd.remote.s32 $0x1  }
0xc7: {  	_ =	sfence.sel $0xFFFF  }
0xc8: {  	[dreg:$0x0] =	wrdreg $0xFFFFFFFF;
	(pc) =	sbr.abs _section_cstart, $3  }
0xc9: {  	[dreg:$0x1] =	wrdreg $0xFFFFFFFF  }
0xca: {  	_ =	task.clear_ibuf [dreg:s8], $0x2FFFF;
	_ =	strace $0x9FFFFFFF  }
0xcb: {  	(tm) =	ssettm $0x7FFFFFFF  }
tec
execute0_lowered:
.L_overlay_start_1:
0x0: {  	(tag) =	ssettag $0x1  }
0x1: {  	s0 =	srdreg.scid;
	s8 =	rddreg [dreg:$0x1]  }
0x2: {  	s7 =	rddreg [dreg:$0x2];
	s6 =	sand.u32 $0x1, s0  }
0x3: {  	s4 =	rddreg [dreg:$0x3];
	s2 =	smul.u32 $0x120, s6  }
0x4: {  	s1 =	stileid.u32;
	s9 =	rddreg [dreg:$0x4];
	s5 =	simm.s32 $0x0  }
0x5: {  	s0 =	rddreg [dreg:$0x0];
	s11 =	sshll.u32 s1, $0x7;
	s3 =	sor.u32 s2, s1  }
0x6: {  	[smem:$0x7FF] =	sst s5;
	s6 =	ssub.s32 $0x2, s6;
	s2 =	sshrl.u32 s3, $0x3  }
0x7: {  	p0 =	sne.s32 s1, $0x0;
	s12 =	sshrl.u32 s6, $0x1;
	s10 =	smul.u32 $0x90000, s2  }
0x8: {  	p1 =	sgt.u32 s1, $0x7;
	s31 =	ssub.s32 s6, s12;
	s6 =	sadd.s32 s11, s9  }
.Ltmp0:
0x9: {  	s9 =	simm.s32 $0x80;
	s10 =	sor.u32 s11, s10;
	(pc) =	sbr.rel .LBB2_1-.Ltmp0, $4  }
0xa: {  	s12 =	simm.s32 $0x4;
	s2 =	rddreg [dreg:$0x5];
	s10 =	sshrl.u32 s10, $0x3  }
0xb: {  	_ =	strace $0x80000047;
	s11 =	simm.s32 $0x1;
	s13 =	sadd.s32 s10, s7  }
0xc: {  	s7 =	smax.u32 s31, $0x1;
	s8 =	sadd.s32 s10, s8;
	s10 =	simm.s32 $0x2  }
0xd: {  	v0 =	vimm.f32 $0.0e+00;
	[dreg:$0x6] =	wrdreg s8;
	s8 =	sadd.s32 $0x600, s13;
	s13 =	simm.s32 $0x0  }
.LBB2_8:
0xe: {  	[spmem:s22@s21], [sflag:s24] =	dma.strided @!p2 [hbm:s25@s21], $0x2400, s23, $0x10   }
0xf: {  	_ =	swait.ge @!p2 [sflag:s19], $0x2400  }
0x10: {  	s17 =	smulhi.u32 $0x38E38E39, s16;
	p3 =	slt.u32 s16, $0x6;
	[sflag:s19] =	ssyncset.done @!p2 $0x0  }
0x11: {  	s15 =	sadd.s32 @!p2 s15, s8;
	p3 =	por !p3, !p4;
	[sflag:s19] =	ssyncadd.s32 @!p2 $0xFFFFDC00  }
0x12: {  	[hbm:s15@s21], [sflag:s20] =	dma.strided @!p2 [spmem:s22@s21], $0x2400, s23, $0x10   }
0x13: {  	p2 =	por !p3, !p3;
	s15 =	simm.s32 $0x1;
	_ =	swait.ge [sflag:s12], $0x2400  }
0x14: {  	s30 =	sshrl.u32 s17, $0x3;
	s15 =	simm.s32 @!p2 $0x0;
	[sflag:s12] =	ssyncset.done $0x0  }
0x15: {  	s15 =	ssub.s32 s30, s15;
	[sflag:s12] =	ssyncadd.s32 $0xFFFFDC00  }
0x16: {  	v1 =	vld [tilespmem:s15+$0x0];
	_ =	sdelay $0x4  }
0x17: {  	(v2sf) =	vpush v1, $0x0;
	_ =	sdelay $0xe  }
0x18: {  	s31 =	spop (v2sf)  }
0x19: {  	p2 =	seq.s32 s31, s18  }
0x1a: {  	s15 =	sshll.u32 @p2 s1, $0x6  }
0x1b: {  	s16 =	simm.s32 @p2 $0x1;
	s17 =	sadd.s32 @p2 s14, s8;
	s18 =	sshrl.u32 @p2 s4, $0x3  }
0x1c: {  	s19 =	simm.s32 @p2 $0x80;
	s20 =	simm.s32 @p2 $0x10;
	s15 =	sor.u32 @p2 $0x1C04, s15  }
0x1d: {  	[hbm:s17@s19], [sflag:s15] =	dma.strided @p2 [spmem:s18@s20], $0x2400, s16, $0x10   }
0x1e: {  	s21 =	simm.s32 @!p2 $0x1;
	s16 =	sshll.u32 @!p2 s1, $0x6  }
0x1f: {  	s17 =	simm.s32 @!p2 $0x3;
	s19 =	simm.s32 @!p2 $0x80;
	s15 =	rddreg [dreg:$0x6]  }
0x20: {  	s20 =	sshrl.u32 @!p2 s6, $0x3;
	s18 =	sor.u32 @!p2 $0x1C03, s16;
	s15 =	sadd.s32 @!p2 s14, s15  }
0x21: {  	[spmem:s20@s19], [sflag:s18] =	dma.strided @!p2 [hbm:s15@s19], $0x2400, s21, $0x10   }
0x22: {  	_ =	swait.ge @!p2 [sflag:s17], $0x2400  }
0x23: {  	[sflag:s17] =	ssyncset.done @!p2 $0x0  }
0x24: {  	s14 =	sadd.s32 @!p2 s14, s8;
	s15 =	sor.u32 @!p2 $0x1C04, s16;
	[sflag:s17] =	ssyncadd.s32 @!p2 $0xFFFFDC00  }
0x25: {  	[hbm:s14@s19], [sflag:s15] =	dma.strided @!p2 [spmem:s20@s19], $0x2400, s21, $0x10   }
0x26: {  	_ =	swait.ge [sflag:s12], $0x2400  }
0x27: {  	[sflag:s12] =	ssyncset.done $0x0  }
0x28: {  	[sflag:s12] =	ssyncadd.s32 $0xFFFFDC00  }
.LBB2_9:
0x29: {  	s13 =	sadd.s32 $0x1, s13  }
0x2a: {  	p2 =	sne.s32 s13, s7  }
.Ltmp1:
0x2b: {  	_ = 	snop;
	(pc) =	sbr.rel @!p2 .LBB2_10-.Ltmp1, $1  }
0x2c: {  	_ =	sdelay $0x3  }
.LBB2_1:
.Ltmp2:
0x2d: {  	(pc) =	sbr.rel @p0 .LBB2_5-.Ltmp2, $2  }
0x2e: {  	_ =	sdelay $0x2  }
0x2f: {  	[tilespmem:s5], [sflag:$0x1] =	stream.linear.gather [hbm4b:s0+s5], $0x10, $0x38;
	[tilespmem:$0x1C280] =	vst v63  }
0x30: {  	s14 =	sshra.s32 s5, $0x2;
	s15 =	sadd.s32 $0x200, s5  }
.LBB2_3:
0x31: {  	p2 =	sne.s32 s15, $0x47E00;
	[tilespmem:s14+$0xF0] =	vst v0  }
0x32: {  	[tilespmem:s14+$0x80] =	vst v0  }
0x33: {  	[tilespmem:s14+$0x90] =	vst v0  }
.Ltmp3:
0x34: {  	[tilespmem:s14+$0xA0] =	vst v0;
	(pc) =	sbr.rel @p2 .LBB2_3-.Ltmp3, $4  }
0x35: {  	[tilespmem:s14+$0xB0] =	vst v0  }
0x36: {  	[tilespmem:s14+$0xC0] =	vst v0  }
0x37: {  	[tilespmem:s14+$0xD0] =	vst v0  }
0x38: {  	[tilespmem:s14+$0xE0] =	vst v0;
	s14 =	sshra.s32 s15, $0x2;
	s15 =	sadd.s32 $0x200, s15  }
0x39: {  	[tilespmem:s14+$0xF0] =	vst v0  }
0x3a: {  	[tilespmem:s14+$0x80] =	vst v0  }
0x3b: {  	[tilespmem:s14+$0x90] =	vst v0  }
0x3c: {  	[tilespmem:s14+$0xA0] =	vst v0  }
0x3d: {  	[tilespmem:s14+$0xB0] =	vst v0  }
0x3e: {  	[tilespmem:s14+$0xC0] =	vst v0  }
0x3f: {  	[tilespmem:s14+$0xD0] =	vst v0  }
0x40: {  	[tilespmem:s14+$0xE0] =	vst v0  }
0x41: {  	[spmem:s4] =	stream.linear.scatter [tilespmem:s9], [sflag:$0x2], $0x12000, $0x38;
	[tilespmem:$0x1C280] =	vst v63  }
0x42: {  	_ =	swait.ge [sflag:s10], $0x12000  }
0x43: {  	[sflag:s10] =	ssyncset.done $0x0  }
0x44: {  	[sflag:s10] =	ssyncadd.s32 $0xFFFEE000  }
.LBB2_5:
.Ltmp4:
0x45: {  	_ =	swait.ge [sflag:s11], $0x10;
	(pc) =	sbr.rel @p1 .LBB2_9-.Ltmp4, $4  }
0x46: {  	[sflag:s11] =	ssyncset.done $0x0  }
0x47: {  	[sflag:s11] =	ssyncadd.s32 $0xFFFFFFF0  }
0x48: {  	[bflag:$0x0] =	sbarrier.arrive $0xFFFF  }
0x49: {  	s15 =	simm.s32 $0x0  }
0x4a: {  	s14 =	smulhi.u32 $0xAAAAAAAB, s3;
	_ =	sdelay $0x1  }
0x4b: {  	s14 =	sshrl.u32 s14, $0x2  }
0x4c: {  	s16 =	smulhi.u32 $0x2AAAAAAB, s14;
	_ =	sdelay $0x1  }
0x4d: {  	s16 =	smul.u32 $0x6, s16;
	_ =	sdelay $0x1  }
0x4e: {  	s17 =	ssub.s32 s14, s16  }
0x4f: {  	p3 =	slt.u32 s3, $0x6;
	p2 =	sne.s32 s17, $0x0  }
0x50: {  	s30 =	smulhi.u32 $0x38E38E39, s3;
	p2 =	por !p3, !p2  }
0x51: {  	s16 =	simm.s32 $0x1;
	p2 =	por !p2, !p2  }
0x52: {  	s14 =	sshrl.u32 s30, $0x3;
	s16 =	simm.s32 @!p2 $0x0  }
0x53: {  	s14 =	ssub.s32 s14, s16  }
0x54: {  	v1 =	vld [tilespmem:s14+$0x0];
	_ =	sdelay $0x4  }
0x55: {  	(v2sf) =	vpush v1, $0x0;
	_ =	sdelay $0x7  }
0x56: {  	s16 =	sadd.s32 $0x8, s3  }
0x57: {  	s18 =	smulhi.u32 $0xAAAAAAAB, s16;
	_ =	sdelay $0x1  }
0x58: {  	s18 =	sshrl.u32 s18, $0x2  }
0x59: {  	s31 =	smulhi.u32 $0x2AAAAAAB, s18;
	_ =	sdelay $0x1  }
0x5a: {  	s23 =	smul.u32 $0x6, s31  }
0x5b: {  	s19 =	spop (v2sf)  }
0x5c: {  	s14 =	simm.s32 $0x12000;
	s18 =	ssub.s32 s18, s23;
	p2 =	seq.s32 s19, s17  }
0x5d: {  	p4 =	sne.s32 s18, $0x0;
	s19 =	sshll.u32 @p2 s1, $0x6;
	s20 =	simm.s32 @p2 $0x1  }
0x5e: {  	s21 =	sadd.s32 @p2 $0x0, s8;
	s22 =	sshrl.u32 @p2 s4, $0x3;
	s17 =	simm.s32 @p2 $0x80  }
0x5f: {  	s24 =	simm.s32 @p2 $0x10;
	s23 =	simm.s32 @!p2 $0x1;
	s19 =	sor.u32 @p2 $0x1C04, s19  }
0x60: {  	[hbm:s21@s17], [sflag:s19] =	dma.strided @p2 [spmem:s22@s24], $0x2400, s20, $0x10   }
0x61: {  	s17 =	simm.s32 $0x24000;
	s20 =	sshll.u32 @!p2 s1, $0x6;
	s19 =	simm.s32 @!p2 $0x3  }
0x62: {  	s21 =	simm.s32 @!p2 $0x80;
	s22 =	rddreg [dreg:$0x6];
	s24 =	sor.u32 @!p2 $0x1C03, s20  }
0x63: {  	s20 =	sor.u32 @!p2 $0x1C04, s20;
	s25 =	sadd.s32 @!p2 $0x0, s22;
	s22 =	sshrl.u32 @!p2 s6, $0x3  }
.LBB2_7:
0x64: {  	[spmem:s22@s21], [sflag:s24] =	dma.strided @!p2 [hbm:s25@s21], $0x2400, s23, $0x10   }
0x65: {  	_ =	swait.ge @!p2 [sflag:s19], $0x2400  }
0x66: {  	s31 =	smulhi.u32 $0x38E38E39, s16;
	p3 =	slt.u32 s16, $0x6;
	[sflag:s19] =	ssyncset.done @!p2 $0x0  }
0x67: {  	s15 =	sadd.s32 @!p2 s15, s8;
	p4 =	por !p3, !p4;
	[sflag:s19] =	ssyncadd.s32 @!p2 $0xFFFFDC00  }
0x68: {  	[hbm:s15@s21], [sflag:s20] =	dma.strided @!p2 [spmem:s22@s21], $0x2400, s23, $0x10   }
0x69: {  	s19 =	simm.s32 $0x1;
	p2 =	por !p4, !p4;
	_ =	swait.ge [sflag:s12], $0x2400  }
0x6a: {  	s26 =	sshrl.u32 s31, $0x3;
	s19 =	simm.s32 @!p2 $0x0;
	[sflag:s12] =	ssyncset.done $0x0  }
0x6b: {  	s19 =	ssub.s32 s26, s19;
	[sflag:s12] =	ssyncadd.s32 $0xFFFFDC00  }
0x6c: {  	v1 =	vld [tilespmem:s19+$0x0];
	_ =	sdelay $0x4  }
0x6d: {  	(v2sf) =	vpush v1, $0x0;
	_ =	sdelay $0xa  }
0x6e: {  	s16 =	sadd.s32 $0x8, s16  }
0x6f: {  	s28 =	smulhi.u32 $0xAAAAAAAB, s16  }
0x70: {  	s30 =	smov.u32 s17  }
0x71: {  	s15 =	smov.u32 s14;
	s14 =	smov.u32 s30;
	s30 =	sshrl.u32 s28, $0x2  }
0x72: {  	s31 =	smulhi.u32 $0x2AAAAAAB, s30;
	s29 =	spop (v2sf)  }
0x73: {  	s17 =	sadd.s32 $0x12000, s17;
	p2 =	seq.s32 s29, s18  }
0x74: {  	p3 =	sne.s32 s17, $0x288000;
	s18 =	smul.u32 $0x6, s31;
	s19 =	sshll.u32 @p2 s1, $0x6  }
0x75: {  	s20 =	simm.s32 @p2 $0x1;
	s22 =	sadd.s32 @p2 s15, s8;
	s23 =	sshrl.u32 @p2 s4, $0x3  }
0x76: {  	s24 =	simm.s32 @p2 $0x80;
	s25 =	simm.s32 @p2 $0x10;
	s21 =	simm.s32 @!p2 $0x80  }
.Ltmp5:
0x77: {  	s19 =	sor.u32 @p2 $0x1C04, s19;
	s18 =	ssub.s32 s30, s18;
	(pc) =	sbr.rel @p3 .LBB2_7-.Ltmp5, $4  }
0x78: {  	[hbm:s22@s24], [sflag:s19] =	dma.strided @p2 [spmem:s23@s25], $0x2400, s20, $0x10   }
0x79: {  	s20 =	sshll.u32 @!p2 s1, $0x6;
	s19 =	simm.s32 @!p2 $0x3;
	p4 =	sne.s32 s18, $0x0  }
0x7a: {  	s23 =	simm.s32 @!p2 $0x1;
	s22 =	rddreg [dreg:$0x6];
	s24 =	sor.u32 @!p2 $0x1C03, s20  }
0x7b: {  	s20 =	sor.u32 @!p2 $0x1C04, s20;
	s25 =	sadd.s32 @!p2 s15, s22;
	s22 =	sshrl.u32 @!p2 s6, $0x3  }
.Ltmp6:
0x7c: {  	_ = 	snop;
	(pc) =	sbr.rel .LBB2_8-.Ltmp6, $1  }
0x7d: {  	_ =	sdelay $0x3  }
.LBB2_10:
0x7e: {  	_ =	sfence.sel $0x180000  }
0x7f: {  	[bflag:$0x0] =	sbarrier.arrive $0xFFFF  }
0x80: {  	_ =	strace $0x90000047  }
0x81: {  	s0 =	sadd.s32 @!p0 $0x100000, s2;
	[bflag:$0x2] =	sbarrier.arrive $0xFFFF  }
0x82: {  	[sflag:s0] =	ssyncadd.tile.s32 @!p0 $0x1;
	_ =	shalt  }
.Lfunc_end2:
_tile_overlayer_lowered:
.L_overlay_start_2:
0x83: {  	(tag) =	ssettag $0x2  }
0x84: {  	s0 =	rddreg [dreg:$0x0];
	s2 =	stileid.u32  }
0x85: {  	s1 =	rddreg [dreg:$0x1];
	p0 =	sne.s32 s2, $0x0  }
0x86: {  	s3 =	rddreg [dreg:$0x2];
	[bflag:$0x3] =	sbarrier.arrive $0xFFFF;
	s2 =	simm.s32 @!p0 $0x1C05  }
0x87: {  	[timem:s3], [sflag:s2] =	dma.local @!p0 [hbm:s0], s1  }
0x88: {  	s0 =	simm.s32 @!p0 $0x5  }
0x89: {  	_ =	swait.ge @!p0 [sflag:s0], s1  }
0x8a: {  	s1 =	ssub.s32 @!p0 $0x0, s1;
	[sflag:s0] =	ssyncset.done @!p0 $0x0  }
0x8b: {  	[sflag:s0] =	ssyncadd.s32 @!p0 s1  }
0x8c: {  	[bflag:$0x3] =	sbarrier.arrive $0xFFFF  }
0x8d: {  	_ =	shalt  }

</sc_bundles>
